<compile_context>
chip_gen: v7x
topology: tpu7x:2x2x1
jax: 0.10.2.dev20260603
libtpu: 0.0.44.dev20260713+nightly
codegen_flags: <defaults>
</compile_context>

<pallas_src>
import functools

import jax
import jax.numpy as jnp
import numpy as np
from jax import lax
from jax.experimental import pallas as pl
from jax.experimental.pallas import tpu as pltpu
from jax.experimental.pallas import tpu_sc as plsc

_NUM_TRAIN_TIMESTEPS = 1000
_TABLE_PAD = 1024
_ROW = 128


def _coef_table_np():
    betas = np.linspace(np.float32(1e-4), np.float32(0.02),
                        _NUM_TRAIN_TIMESTEPS, dtype=np.float32)
    alphas_cumprod = np.cumprod((np.float32(1.0) - betas).astype(np.float32),
                                dtype=np.float32)
    sa = np.sqrt(alphas_cumprod).astype(np.float32)
    so = np.sqrt((np.float32(1.0) - alphas_cumprod).astype(np.float32))
    table = np.zeros((_TABLE_PAD, _ROW), np.float32)
    table[:_NUM_TRAIN_TIMESTEPS, 0] = sa
    table[:_NUM_TRAIN_TIMESTEPS, 1] = so
    return table


_TABLE_CONST = _coef_table_np()


def _sc_gather(table, timesteps):
    B = timesteps.shape[0]
    info = plsc.get_sparse_core_info()
    nc, ns = 1, info.num_subcores
    nw = nc * ns
    b_per_w = B // nw
    mesh = plsc.VectorSubcoreMesh(core_axis_name="c", subcore_axis_name="s", num_cores=1)

    @functools.partial(
        pl.kernel,
        out_type=jax.ShapeDtypeStruct((B, _ROW), jnp.float32),
        mesh=mesh,
        scratch_types=[
            pltpu.VMEM((b_per_w,), jnp.int32),
            pltpu.VMEM((b_per_w, _ROW), jnp.float32),
            pltpu.SemaphoreType.DMA,
        ],
    )
    def gather_kernel(table_hbm, ts_hbm, out_hbm, idx_v, rows_v, sem):
        wid = lax.axis_index("s") * nc + lax.axis_index("c")
        base = wid * b_per_w
        pltpu.sync_copy(ts_hbm.at[pl.ds(base, b_per_w)], idx_v)
        pltpu.async_copy(table_hbm.at[idx_v], rows_v, sem).wait()
        pltpu.sync_copy(rows_v, out_hbm.at[pl.ds(base, b_per_w)])

    return gather_kernel(table, timesteps)


_ROWS0 = 4096


def _tc_blend0(table, ts2, xt, nt, block_r):
    D, B = xt.shape
    grid = (_ROWS0 // block_r,)
    nk = B // 128

    def body(tab_ref, ts_ref, x_ref, n_ref, o_ref, coef_ref):
        @pl.when(pl.program_id(0) == 0)
        def _():
            sa_col = tab_ref[:, 0:1]
            so_col = tab_ref[:, 1:2]
            zero = jnp.zeros((_TABLE_PAD, 128), jnp.float32)
            for k in range(nk):
                tsk = ts_ref[k:k + 1, :]
                oh = (lax.broadcasted_iota(jnp.int32, (_TABLE_PAD, 128), 0)
                      == tsk)
                coef_ref[0:1, k * 128:(k + 1) * 128] = jnp.sum(
                    jnp.where(oh, sa_col, zero), axis=0, keepdims=True)
                coef_ref[1:2, k * 128:(k + 1) * 128] = jnp.sum(
                    jnp.where(oh, so_col, zero), axis=0, keepdims=True)

        sa = coef_ref[0:1, :]
        so = coef_ref[1:2, :]
        o_ref[...] = sa * x_ref[...] + so * n_ref[...]

    return pl.pallas_call(
        body,
        grid=grid,
        in_specs=[
            pl.BlockSpec((_TABLE_PAD, _ROW), lambda i: (0, 0)),
            pl.BlockSpec((8, 128), lambda i: (0, 0)),
            pl.BlockSpec((block_r, B), lambda i: (i, 0)),
            pl.BlockSpec((block_r, B), lambda i: (i, 0)),
        ],
        out_specs=pl.BlockSpec((block_r, B), lambda i: (i, 0)),
        out_shape=jax.ShapeDtypeStruct((D, B), jnp.float32),
        scratch_shapes=[pltpu.VMEM((2, B), jnp.float32)],
    )(table, ts2, xt, nt)


def _tc_blend1(coef, xt, nt, partial, block_r):
    D, B = xt.shape
    r0 = _ROWS0 // block_r
    grid = (D // block_r - r0,)

    def body(coef_ref, x_ref, n_ref, partial_ref, o_ref, coef_t_ref):
        @pl.when(pl.program_id(0) == 0)
        def _():
            coef_t_ref[...] = coef_ref[:, 0:8].T

        sa = coef_t_ref[0:1, :]
        so = coef_t_ref[1:2, :]
        o_ref[...] = sa * x_ref[...] + so * n_ref[...]

    return pl.pallas_call(
        body,
        grid=grid,
        in_specs=[
            pl.BlockSpec((B, _ROW), lambda i: (0, 0)),
            pl.BlockSpec((block_r, B), lambda i: (i + r0, 0)),
            pl.BlockSpec((block_r, B), lambda i: (i + r0, 0)),
            pl.BlockSpec(memory_space=pl.ANY),
        ],
        out_specs=pl.BlockSpec((block_r, B), lambda i: (i + r0, 0)),
        out_shape=jax.ShapeDtypeStruct((D, B), jnp.float32),
        scratch_shapes=[pltpu.VMEM((8, B), jnp.float32)],
        input_output_aliases={3: 0},
    )(coef, xt, nt, partial)


def kernel(original_samples, noise, timesteps):
    B, C, H, W = original_samples.shape
    D = C * H * W
    table = jnp.asarray(_TABLE_CONST)
    ts32 = timesteps.astype(jnp.int32)
    coef = _sc_gather(table, ts32)
    xt = original_samples.transpose(1, 2, 3, 0).reshape(D, B)
    nt = noise.transpose(1, 2, 3, 0).reshape(D, B)
    ts2 = ts32.reshape(8, 128)
    partial = _tc_blend0(table, ts2, xt, nt, block_r=1024)
    out = _tc_blend1(coef, xt, nt, partial, block_r=1024)
    return out.reshape(C, H, W, B).transpose(3, 0, 1, 2)

# --- scband reference (transcript-rebuilt; emitter-appended) ---
"""Pipeline reference for scband-ddpmscheduler-19516331393666 (READ-ONLY COPY).

The authoritative reference and input builder live on the scoring server;
editing this copy changes nothing except your own understanding.
"""

import jax, jax.numpy as jnp
import numpy as np

NUM_TRAIN_TIMESTEPS = 1000
BETA_START = 1e-4
BETA_END = 0.02


def _alphas_cumprod():
    betas = jnp.linspace(BETA_START, BETA_END, NUM_TRAIN_TIMESTEPS, dtype=jnp.float32)
    alphas = jnp.ones_like(betas) - betas
    return jnp.cumprod(alphas, axis=0)


def setup_inputs(seed: int = 0) -> dict:
    key = jax.random.key(seed)
    k1, k2, k3 = jax.random.split(key, 3)
    original_samples = jax.random.normal(k1, (1024, 4, 64, 64), dtype=jnp.float32)
    noise = jax.random.normal(k2, (1024, 4, 64, 64), dtype=jnp.float32)
    timesteps = jax.random.randint(k3, (1024,), 0, NUM_TRAIN_TIMESTEPS, dtype=jnp.int64 if jax.config.jax_enable_x64 else jnp.int32).astype(jnp.int32)
    return {"original_samples": original_samples, "noise": noise, "timesteps": timesteps}


def reference(original_samples, noise, timesteps):
    # DDPMScheduler.add_noise: gather per-timestep coefficients and blend
    alphas_cumprod = _alphas_cumprod().astype(original_samples.dtype)
    sqrt_alpha_prod = jnp.sqrt(alphas_cumprod)
    one_minus = jnp.ones_like(alphas_cumprod) - alphas_cumprod
    sqrt_one_minus_alpha_prod = jnp.sqrt(one_minus)
    # gather (embedding-style lookup) at timesteps, then broadcast over trailing dims
    sa = jnp.take(sqrt_alpha_prod, timesteps, axis=0)
    so = jnp.take(sqrt_one_minus_alpha_prod, timesteps, axis=0)
    extra = (1,) * (original_samples.ndim - 1)
    sa = sa.reshape(sa.shape + extra)
    so = so.reshape(so.shape + extra)
    noisy_samples = sa * original_samples + so * noise
    return noisy_samples

if __name__ == "__main__":
    import jax
    _d = setup_inputs()
    print(jax.jit(kernel)(*tuple(_d.values())))

</pallas_src>

<mosaic_0001>
#map = affine_map<(d0, d1) -> (0, 0)>
#map1 = affine_map<(d0, d1) -> (0)>
module attributes {stable_mosaic.version = 14 : i64} {
  func.func @gather_kernel(%arg0: i32, %arg1: i32, %arg2: memref<1024x128xf32, #tpu.memory_space<hbm>>, %arg3: memref<1024xi32, #tpu.memory_space<hbm>>, %arg4: memref<1024x128xf32, #tpu.memory_space<hbm>>, %arg5: memref<64xi32, #tpu.memory_space<vmem>>, %arg6: memref<64x128xf32, #tpu.memory_space<vmem>>, %arg7: memref<!tpu.dma_semaphore, #tpu.memory_space<semaphore_mem>>) attributes {dimension_semantics = [#tpu.dimension_semantics<core_parallel>, #tpu.dimension_semantics<subcore_parallel>], iteration_bounds = array<i64: 1, 16>, scalar_prefetch = 0 : i64, scratch_operands = 3 : i64, tpu.core_type = #tpu.core_type<sc_vector_subcore>, window_params = [{transform_indices = #map}, {transform_indices = #map1}, {transform_indices = #map}]} {
    %mul3A = arith.constant 1 : i32
    %mul3A_0 = arith.muli %arg1, %mul3A : i32
    %add3A = arith.addi %mul3A_0, %arg0 : i32
    %mul3A_1 = arith.constant 64 : i32
    %mul3A_2 = arith.muli %add3A, %mul3A_1 : i32
    "tpu.region"() ({
      %run_scoped3A = tpu.sem_alloc : memref<!tpu.dma_semaphore, #tpu.memory_space<semaphore_mem>>
      %dma_start3A_7 = tpu.memref_slice %arg3[%mul3A_2] : memref<1024xi32, #tpu.memory_space<hbm>> -> memref<64xi32, #tpu.memory_space<hbm>>
      %dma_start3A_8 = tpu.memref_slice %arg3[%mul3A_2] : memref<1024xi32, #tpu.memory_space<hbm>> -> memref<64xi32, #tpu.memory_space<hbm>>
      tpu.enqueue_dma source(%dma_start3A_8 : memref<64xi32, #tpu.memory_space<hbm>>) target(%arg5 : memref<64xi32, #tpu.memory_space<vmem>>) target_semaphore(%run_scoped3A : memref<!tpu.dma_semaphore, #tpu.memory_space<semaphore_mem>>)
      %dma_wait3A_9 = tpu.memref_slice %arg3[%mul3A_2] : memref<1024xi32, #tpu.memory_space<hbm>> -> memref<64xi32, #tpu.memory_space<hbm>>
      %dma_wait3A_10 = tpu.memref_slice %arg3[%mul3A_2] : memref<1024xi32, #tpu.memory_space<hbm>> -> memref<64xi32, #tpu.memory_space<hbm>>
      tpu.wait_dma2 semaphore(%run_scoped3A : memref<!tpu.dma_semaphore, #tpu.memory_space<semaphore_mem>>) src(%dma_wait3A_10 : memref<64xi32, #tpu.memory_space<hbm>>) dst(%arg5 : memref<64xi32, #tpu.memory_space<vmem>>)
      tpu.yield
    }) : () -> ()
    %dma_start3A = arith.constant 0 : i32
    %dma_start3A_3 = arith.constant 0 : i32
    %dma_start3A_4 = tpu.memref_slice %arg2[%dma_start3A, %dma_start3A_3] : memref<1024x128xf32, #tpu.memory_space<hbm>> -> memref<1024x128xf32, #tpu.memory_space<hbm>>
    tpu.enqueue_indirect_dma source(%dma_start3A_4 : memref<1024x128xf32, #tpu.memory_space<hbm>>) target(%arg6 : memref<64x128xf32, #tpu.memory_space<vmem>>) offsets(%arg5 : memref<64xi32, #tpu.memory_space<vmem>>) semaphore(%arg7 : memref<!tpu.dma_semaphore, #tpu.memory_space<semaphore_mem>>)
    %dma_wait3A = arith.constant 0 : i32
    %dma_wait3A_5 = arith.constant 0 : i32
    %dma_wait3A_6 = tpu.memref_slice %arg2[%dma_wait3A, %dma_wait3A_5] : memref<1024x128xf32, #tpu.memory_space<hbm>> -> memref<1024x128xf32, #tpu.memory_space<hbm>>
    tpu.wait_indirect_dma semaphore(%arg7 : memref<!tpu.dma_semaphore, #tpu.memory_space<semaphore_mem>>) src(%dma_wait3A_6 : memref<1024x128xf32, #tpu.memory_space<hbm>>) dst(%arg6 : memref<64x128xf32, #tpu.memory_space<vmem>>)
    "tpu.region"() ({
      %run_scoped3A = tpu.sem_alloc : memref<!tpu.dma_semaphore, #tpu.memory_space<semaphore_mem>>
      %dma_start3A_7 = arith.constant 0 : i32
      %dma_start3A_8 = tpu.memref_slice %arg4[%mul3A_2, %dma_start3A_7] : memref<1024x128xf32, #tpu.memory_space<hbm>> -> memref<64x128xf32, #tpu.memory_space<hbm>>
      %dma_start3A_9 = arith.constant 0 : i32
      %dma_start3A_10 = tpu.memref_slice %arg4[%mul3A_2, %dma_start3A_9] : memref<1024x128xf32, #tpu.memory_space<hbm>> -> memref<64x128xf32, #tpu.memory_space<hbm>>
      tpu.enqueue_dma source(%arg6 : memref<64x128xf32, #tpu.memory_space<vmem>>) target(%dma_start3A_10 : memref<64x128xf32, #tpu.memory_space<hbm>>) target_semaphore(%run_scoped3A : memref<!tpu.dma_semaphore, #tpu.memory_space<semaphore_mem>>)
      %dma_wait3A_11 = arith.constant 0 : i32
      %dma_wait3A_12 = tpu.memref_slice %arg4[%mul3A_2, %dma_wait3A_11] : memref<1024x128xf32, #tpu.memory_space<hbm>> -> memref<64x128xf32, #tpu.memory_space<hbm>>
      %dma_wait3A_13 = arith.constant 0 : i32
      %dma_wait3A_14 = tpu.memref_slice %arg4[%mul3A_2, %dma_wait3A_13] : memref<1024x128xf32, #tpu.memory_space<hbm>> -> memref<64x128xf32, #tpu.memory_space<hbm>>
      tpu.wait_dma2 semaphore(%run_scoped3A : memref<!tpu.dma_semaphore, #tpu.memory_space<semaphore_mem>>) src(%arg6 : memref<64x128xf32, #tpu.memory_space<vmem>>) dst(%dma_wait3A_14 : memref<64x128xf32, #tpu.memory_space<hbm>>)
      tpu.yield
    }) : () -> ()
    return
  }
}

module attributes {stable_mosaic.version = 14 : i64} {
  func.func @body(%arg0: i32, %arg1: memref<1024x128xf32, #tpu.memory_space<vmem>>, %arg2: memref<1024x1024xf32, #tpu.memory_space<vmem>>, %arg3: memref<1024x1024xf32, #tpu.memory_space<vmem>>, %arg4: memref<16384x1024xf32, #tpu.memory_space<any>>, %arg5: memref<1024x1024xf32, #tpu.memory_space<vmem>>, %arg6: memref<8x1024xf32, #tpu.memory_space<vmem>>) attributes {dimension_semantics = [#tpu.dimension_semantics<arbitrary>], iteration_bounds = array<i64: 12>, scalar_prefetch = 0 : i64, scratch_operands = 1 : i64, tpu.core_type = #tpu.core_type<tc>, window_params = [{pipeline_mode = #tpu.pipeline_mode<synchronous>, transform_indices = @transform_0, window_bounds = array<i64: 1024, 128>}, {transform_indices = @transform_1, window_bounds = array<i64: 1024, 1024>}, {transform_indices = @transform_2, window_bounds = array<i64: 1024, 1024>}, {}, {transform_indices = @transform_4, window_bounds = array<i64: 1024, 1024>}]} {
    %eq3A = arith.constant 0 : i32
    %eq3A_0 = arith.cmpi eq, %arg0, %eq3A : i32
    %convert_element_type3A = arith.extui %eq3A_0 : i1 to i32
    %cond3A = arith.constant 0 : i32
    %cond3A_1 = arith.cmpi ne, %convert_element_type3A, %cond3A : i32
    scf.if %cond3A_1 {
      %get3A_18 = arith.constant 0 : index
      %get3A_19 = arith.constant 0 : index
      %get3A_20 = vector.load %arg1[%get3A_18, %get3A_19] : memref<1024x128xf32, #tpu.memory_space<vmem>>, vector<1024x8xf32>
      %transpose3A = tpu.transpose %get3A_20, [1, 0] : vector<1024x8xf32> -> vector<8x1024xf32>
      %swap3A_21 = arith.constant 0 : index
      %swap3A_22 = arith.constant 0 : index
      %swap3A_23 = vector.load %arg6[%swap3A_21, %swap3A_22] : memref<8x1024xf32, #tpu.memory_space<vmem>>, vector<8x1024xf32>
      tpu.vector_store %arg6[%swap3A_21, %swap3A_22], %transpose3A {strides = array<i32>} : memref<8x1024xf32, #tpu.memory_space<vmem>>, vector<8x1024xf32>,
    } else {
    }
    %get3A = arith.constant 0 : index
    %get3A_2 = arith.constant 0 : index
    %get3A_3 = vector.load %arg6[%get3A, %get3A_2] : memref<8x1024xf32, #tpu.memory_space<vmem>>, vector<1x1024xf32>
    %get3A_4 = arith.constant 1 : index
    %get3A_5 = arith.constant 0 : index
    %get3A_6 = vector.load %arg6[%get3A_4, %get3A_5] : memref<8x1024xf32, #tpu.memory_space<vmem>>, vector<1x1024xf32>
    %get3A_7 = arith.constant 0 : index
    %get3A_8 = arith.constant 0 : index
    %get3A_9 = vector.load %arg2[%get3A_7, %get3A_8] : memref<1024x1024xf32, #tpu.memory_space<vmem>>, vector<1024x1024xf32>
    %mul3A = vector.broadcast %get3A_3 : vector<1x1024xf32> to vector<1024x1024xf32>
    %mul3A_10 = arith.mulf %mul3A, %get3A_9 : vector<1024x1024xf32>
    %get3A_11 = arith.constant 0 : index
    %get3A_12 = arith.constant 0 : index
    %get3A_13 = vector.load %arg3[%get3A_11, %get3A_12] : memref<1024x1024xf32, #tpu.memory_space<vmem>>, vector<1024x1024xf32>
    %mul3A_14 = vector.broadcast %get3A_6 : vector<1x1024xf32> to vector<1024x1024xf32>
    %mul3A_15 = arith.mulf %mul3A_14, %get3A_13 : vector<1024x1024xf32>
    %add3A = arith.addf %mul3A_10, %mul3A_15 : vector<1024x1024xf32>
    %swap3A = arith.constant 0 : index
    %swap3A_16 = arith.constant 0 : index
    %swap3A_17 = vector.load %arg5[%swap3A, %swap3A_16] : memref<1024x1024xf32, #tpu.memory_space<vmem>>, vector<1024x1024xf32>
    tpu.vector_store %arg5[%swap3A, %swap3A_16], %add3A {strides = array<i32>} : memref<1024x1024xf32, #tpu.memory_space<vmem>>, vector<1024x1024xf32>,
    return
  }
  func.func @transform_0(%arg0: i32) -> (i32, i32) {
    %c0_i32 = arith.constant 0 : i32
    %c0_i32_0 = arith.constant 0 : i32
    %c0_i32_1 = arith.constant 0 : i32
    return %c0_i32, %c0_i32_0 : i32, i32
  }
  func.func @transform_1(%arg0: i32) -> (i32, i32) {
    %add3A = arith.constant 4 : i32
    %add3A_0 = arith.addi %arg0, %add3A : i32
    %c0_i32 = arith.constant 0 : i32
    %c0_i32_1 = arith.constant 0 : i32
    return %add3A_0, %c0_i32 : i32, i32
  }
  func.func @transform_2(%arg0: i32) -> (i32, i32) {
    %add3A = arith.constant 4 : i32
    %add3A_0 = arith.addi %arg0, %add3A : i32
    %c0_i32 = arith.constant 0 : i32
    %c0_i32_1 = arith.constant 0 : i32
    return %add3A_0, %c0_i32 : i32, i32
  }
  func.func @transform_4(%arg0: i32) -> (i32, i32) {
    %add3A = arith.constant 4 : i32
    %add3A_0 = arith.addi %arg0, %add3A : i32
    %c0_i32 = arith.constant 0 : i32
    %c0_i32_1 = arith.constant 0 : i32
    return %add3A_0, %c0_i32 : i32, i32
  }
}

module attributes {stable_mosaic.version = 14 : i64} {
  func.func @body(%arg0: i32, %arg1: memref<1024x128xf32, #tpu.memory_space<vmem>>, %arg2: memref<8x128xi32, #tpu.memory_space<vmem>>, %arg3: memref<1024x1024xf32, #tpu.memory_space<vmem>>, %arg4: memref<1024x1024xf32, #tpu.memory_space<vmem>>, %arg5: memref<1024x1024xf32, #tpu.memory_space<vmem>>, %arg6: memref<2x1024xf32, #tpu.memory_space<vmem>>) attributes {dimension_semantics = [#tpu.dimension_semantics<arbitrary>], iteration_bounds = array<i64: 4>, scalar_prefetch = 0 : i64, scratch_operands = 1 : i64, tpu.core_type = #tpu.core_type<tc>, window_params = [{pipeline_mode = #tpu.pipeline_mode<synchronous>, transform_indices = @transform_0, window_bounds = array<i64: 1024, 128>}, {pipeline_mode = #tpu.pipeline_mode<synchronous>, transform_indices = @transform_1, window_bounds = array<i64: 8, 128>}, {transform_indices = @transform_2, window_bounds = array<i64: 1024, 1024>}, {transform_indices = @transform_3, window_bounds = array<i64: 1024, 1024>}, {transform_indices = @transform_4, window_bounds = array<i64: 1024, 1024>}]} {
    %eq3A = arith.constant 0 : i32
    %eq3A_0 = arith.cmpi eq, %arg0, %eq3A : i32
    %convert_element_type3A = arith.extui %eq3A_0 : i1 to i32
    %cond3A = arith.constant 0 : i32
    %cond3A_1 = arith.cmpi ne, %convert_element_type3A, %cond3A : i32
    scf.if %cond3A_1 {
      %get3A_18 = arith.constant 0 : index
      %get3A_19 = arith.constant 0 : index
      %get3A_20 = vector.load %arg1[%get3A_18, %get3A_19] : memref<1024x128xf32, #tpu.memory_space<vmem>>, vector<1024x1xf32>
      %get3A_21 = arith.constant 0 : index
      %get3A_22 = arith.constant 1 : index
      %get3A_23 = vector.load %arg1[%get3A_21, %get3A_22] : memref<1024x128xf32, #tpu.memory_space<vmem>>, vector<1024x1xf32>
      %broadcast_in_dim3A = arith.constant 0.000000e+00 : f32
      %broadcast_in_dim3A_24 = vector.broadcast %broadcast_in_dim3A : f32 to vector<1024x128xf32>
      %get3A_25 = arith.constant 0 : index
      %get3A_26 = arith.constant 0 : index
      %get3A_27 = vector.load %arg2[%get3A_25, %get3A_26] : memref<8x128xi32, #tpu.memory_space<vmem>>, vector<1x128xi32>
      %iota3A = tpu.iota {dimensions = array<i32: 0>} : vector<1024x128xi32>
      %eq3A_28 = vector.broadcast %get3A_27 : vector<1x128xi32> to vector<1024x128xi32>
      %eq3A_29 = arith.cmpi eq, %iota3A, %eq3A_28 : vector<1024x128xi32>
      %broadcast_in_dim3A_30 = vector.shape_cast %get3A_20 : vector<1024x1xf32> to vector<1024x1xf32>
      %broadcast_in_dim3A_31 = vector.broadcast %broadcast_in_dim3A_30 : vector<1024x1xf32> to vector<1024x128xf32>
      %select_n3A = arith.select %eq3A_29, %broadcast_in_dim3A_31, %broadcast_in_dim3A_24 : vector<1024x128xi1>, vector<1024x128xf32>
      %reduce_sum3A = arith.constant dense<0.000000e+00> : vector<128xf32>
      %reduce_sum3A_32 = vector.multi_reduction <add>, %select_n3A, %reduce_sum3A [0] : vector<1024x128xf32> to vector<128xf32>
      %broadcast_in_dim3A_33 = vector.shape_cast %reduce_sum3A_32 : vector<128xf32> to vector<1x128xf32>
      %swap3A_34 = arith.constant 0 : index
      %swap3A_35 = arith.constant 0 : index
      %swap3A_36 = vector.load %arg6[%swap3A_34, %swap3A_35] : memref<2x1024xf32, #tpu.memory_space<vmem>>, vector<1x128xf32>
      tpu.vector_store %arg6[%swap3A_34, %swap3A_35], %broadcast_in_dim3A_33 {strides = array<i32>} : memref<2x1024xf32, #tpu.memory_space<vmem>>, vector<1x128xf32>,
      %broadcast_in_dim3A_37 = vector.shape_cast %get3A_23 : vector<1024x1xf32> to vector<1024x1xf32>
      %broadcast_in_dim3A_38 = vector.broadcast %broadcast_in_dim3A_37 : vector<1024x1xf32> to vector<1024x128xf32>
      %select_n3A_39 = arith.select %eq3A_29, %broadcast_in_dim3A_38, %broadcast_in_dim3A_24 : vector<1024x128xi1>, vector<1024x128xf32>
      %reduce_sum3A_40 = arith.constant dense<0.000000e+00> : vector<128xf32>
      %reduce_sum3A_41 = vector.multi_reduction <add>, %select_n3A_39, %reduce_sum3A_40 [0] : vector<1024x128xf32> to vector<128xf32>
      %broadcast_in_dim3A_42 = vector.shape_cast %reduce_sum3A_41 : vector<128xf32> to vector<1x128xf32>
      %swap3A_43 = arith.constant 1 : index
      %swap3A_44 = arith.constant 0 : index
      %swap3A_45 = vector.load %arg6[%swap3A_43, %swap3A_44] : memref<2x1024xf32, #tpu.memory_space<vmem>>, vector<1x128xf32>
      tpu.vector_store %arg6[%swap3A_43, %swap3A_44], %broadcast_in_dim3A_42 {strides = array<i32>} : memref<2x1024xf32, #tpu.memory_space<vmem>>, vector<1x128xf32>,
      %get3A_46 = arith.constant 1 : index
      %get3A_47 = arith.constant 0 : index
      %get3A_48 = vector.load %arg2[%get3A_46, %get3A_47] : memref<8x128xi32, #tpu.memory_space<vmem>>, vector<1x128xi32>
      %iota3A_49 = tpu.iota {dimensions = array<i32: 0>} : vector<1024x128xi32>
      %eq3A_50 = vector.broadcast %get3A_48 : vector<1x128xi32> to vector<1024x128xi32>
      %eq3A_51 = arith.cmpi eq, %iota3A_49, %eq3A_50 : vector<1024x128xi32>
      %broadcast_in_dim3A_52 = vector.shape_cast %get3A_20 : vector<1024x1xf32> to vector<1024x1xf32>
      %broadcast_in_dim3A_53 = vector.broadcast %broadcast_in_dim3A_52 : vector<1024x1xf32> to vector<1024x128xf32>
      %select_n3A_54 = arith.select %eq3A_51, %broadcast_in_dim3A_53, %broadcast_in_dim3A_24 : vector<1024x128xi1>, vector<1024x128xf32>
      %reduce_sum3A_55 = arith.constant dense<0.000000e+00> : vector<128xf32>
      %reduce_sum3A_56 = vector.multi_reduction <add>, %select_n3A_54, %reduce_sum3A_55 [0] : vector<1024x128xf32> to vector<128xf32>
      %broadcast_in_dim3A_57 = vector.shape_cast %reduce_sum3A_56 : vector<128xf32> to vector<1x128xf32>
      %swap3A_58 = arith.constant 0 : index
      %swap3A_59 = arith.constant 128 : index
      %swap3A_60 = vector.load %arg6[%swap3A_58, %swap3A_59] : memref<2x1024xf32, #tpu.memory_space<vmem>>, vector<1x128xf32>
      tpu.vector_store %arg6[%swap3A_58, %swap3A_59], %broadcast_in_dim3A_57 {strides = array<i32>} : memref<2x1024xf32, #tpu.memory_space<vmem>>, vector<1x128xf32>,
      %broadcast_in_dim3A_61 = vector.shape_cast %get3A_23 : vector<1024x1xf32> to vector<1024x1xf32>
      %broadcast_in_dim3A_62 = vector.broadcast %broadcast_in_dim3A_61 : vector<1024x1xf32> to vector<1024x128xf32>
      %select_n3A_63 = arith.select %eq3A_51, %broadcast_in_dim3A_62, %broadcast_in_dim3A_24 : vector<1024x128xi1>, vector<1024x128xf32>
      %reduce_sum3A_64 = arith.constant dense<0.000000e+00> : vector<128xf32>
      %reduce_sum3A_65 = vector.multi_reduction <add>, %select_n3A_63, %reduce_sum3A_64 [0] : vector<1024x128xf32> to vector<128xf32>
      %broadcast_in_dim3A_66 = vector.shape_cast %reduce_sum3A_65 : vector<128xf32> to vector<1x128xf32>
      %swap3A_67 = arith.constant 1 : index
      %swap3A_68 = arith.constant 128 : index
      %swap3A_69 = vector.load %arg6[%swap3A_67, %swap3A_68] : memref<2x1024xf32, #tpu.memory_space<vmem>>, vector<1x128xf32>
      tpu.vector_store %arg6[%swap3A_67, %swap3A_68], %broadcast_in_dim3A_66 {strides = array<i32>} : memref<2x1024xf32, #tpu.memory_space<vmem>>, vector<1x128xf32>,
      %get3A_70 = arith.constant 2 : index
      %get3A_71 = arith.constant 0 : index
      %get3A_72 = vector.load %arg2[%get3A_70, %get3A_71] : memref<8x128xi32, #tpu.memory_space<vmem>>, vector<1x128xi32>
      %iota3A_73 = tpu.iota {dimensions = array<i32: 0>} : vector<1024x128xi32>
      %eq3A_74 = vector.broadcast %get3A_72 : vector<1x128xi32> to vector<1024x128xi32>
      %eq3A_75 = arith.cmpi eq, %iota3A_73, %eq3A_74 : vector<1024x128xi32>
      %broadcast_in_dim3A_76 = vector.shape_cast %get3A_20 : vector<1024x1xf32> to vector<1024x1xf32>
      %broadcast_in_dim3A_77 = vector.broadcast %broadcast_in_dim3A_76 : vector<1024x1xf32> to vector<1024x128xf32>
      %select_n3A_78 = arith.select %eq3A_75, %broadcast_in_dim3A_77, %broadcast_in_dim3A_24 : vector<1024x128xi1>, vector<1024x128xf32>
      %reduce_sum3A_79 = arith.constant dense<0.000000e+00> : vector<128xf32>
      %reduce_sum3A_80 = vector.multi_reduction <add>, %select_n3A_78, %reduce_sum3A_79 [0] : vector<1024x128xf32> to vector<128xf32>
      %broadcast_in_dim3A_81 = vector.shape_cast %reduce_sum3A_80 : vector<128xf32> to vector<1x128xf32>
      %swap3A_82 = arith.constant 0 : index
      %swap3A_83 = arith.constant 256 : index
      %swap3A_84 = vector.load %arg6[%swap3A_82, %swap3A_83] : memref<2x1024xf32, #tpu.memory_space<vmem>>, vector<1x128xf32>
      tpu.vector_store %arg6[%swap3A_82, %swap3A_83], %broadcast_in_dim3A_81 {strides = array<i32>} : memref<2x1024xf32, #tpu.memory_space<vmem>>, vector<1x128xf32>,
      %broadcast_in_dim3A_85 = vector.shape_cast %get3A_23 : vector<1024x1xf32> to vector<1024x1xf32>
      %broadcast_in_dim3A_86 = vector.broadcast %broadcast_in_dim3A_85 : vector<1024x1xf32> to vector<1024x128xf32>
      %select_n3A_87 = arith.select %eq3A_75, %broadcast_in_dim3A_86, %broadcast_in_dim3A_24 : vector<1024x128xi1>, vector<1024x128xf32>
      %reduce_sum3A_88 = arith.constant dense<0.000000e+00> : vector<128xf32>
      %reduce_sum3A_89 = vector.multi_reduction <add>, %select_n3A_87, %reduce_sum3A_88 [0] : vector<1024x128xf32> to vector<128xf32>
      %broadcast_in_dim3A_90 = vector.shape_cast %reduce_sum3A_89 : vector<128xf32> to vector<1x128xf32>
      %swap3A_91 = arith.constant 1 : index
      %swap3A_92 = arith.constant 256 : index
      %swap3A_93 = vector.load %arg6[%swap3A_91, %swap3A_92] : memref<2x1024xf32, #tpu.memory_space<vmem>>, vector<1x128xf32>
      tpu.vector_store %arg6[%swap3A_91, %swap3A_92], %broadcast_in_dim3A_90 {strides = array<i32>} : memref<2x1024xf32, #tpu.memory_space<vmem>>, vector<1x128xf32>,
      %get3A_94 = arith.constant 3 : index
      %get3A_95 = arith.constant 0 : index
      %get3A_96 = vector.load %arg2[%get3A_94, %get3A_95] : memref<8x128xi32, #tpu.memory_space<vmem>>, vector<1x128xi32>
      %iota3A_97 = tpu.iota {dimensions = array<i32: 0>} : vector<1024x128xi32>
      %eq3A_98 = vector.broadcast %get3A_96 : vector<1x128xi32> to vector<1024x128xi32>
      %eq3A_99 = arith.cmpi eq, %iota3A_97, %eq3A_98 : vector<1024x128xi32>
      %broadcast_in_dim3A_100 = vector.shape_cast %get3A_20 : vector<1024x1xf32> to vector<1024x1xf32>
      %broadcast_in_dim3A_101 = vector.broadcast %broadcast_in_dim3A_100 : vector<1024x1xf32> to vector<1024x128xf32>
      %select_n3A_102 = arith.select %eq3A_99, %broadcast_in_dim3A_101, %broadcast_in_dim3A_24 : vector<1024x128xi1>, vector<1024x128xf32>
      %reduce_sum3A_103 = arith.constant dense<0.000000e+00> : vector<128xf32>
      %reduce_sum3A_104 = vector.multi_reduction <add>, %select_n3A_102, %reduce_sum3A_103 [0] : vector<1024x128xf32> to vector<128xf32>
      %broadcast_in_dim3A_105 = vector.shape_cast %reduce_sum3A_104 : vector<128xf32> to vector<1x128xf32>
      %swap3A_106 = arith.constant 0 : index
      %swap3A_107 = arith.constant 384 : index
      %swap3A_108 = vector.load %arg6[%swap3A_106, %swap3A_107] : memref<2x1024xf32, #tpu.memory_space<vmem>>, vector<1x128xf32>
      tpu.vector_store %arg6[%swap3A_106, %swap3A_107], %broadcast_in_dim3A_105 {strides = array<i32>} : memref<2x1024xf32, #tpu.memory_space<vmem>>, vector<1x128xf32>,
      %broadcast_in_dim3A_109 = vector.shape_cast %get3A_23 : vector<1024x1xf32> to vector<1024x1xf32>
      %broadcast_in_dim3A_110 = vector.broadcast %broadcast_in_dim3A_109 : vector<1024x1xf32> to vector<1024x128xf32>
      %select_n3A_111 = arith.select %eq3A_99, %broadcast_in_dim3A_110, %broadcast_in_dim3A_24 : vector<1024x128xi1>, vector<1024x128xf32>
      %reduce_sum3A_112 = arith.constant dense<0.000000e+00> : vector<128xf32>
      %reduce_sum3A_113 = vector.multi_reduction <add>, %select_n3A_111, %reduce_sum3A_112 [0] : vector<1024x128xf32> to vector<128xf32>
      %broadcast_in_dim3A_114 = vector.shape_cast %reduce_sum3A_113 : vector<128xf32> to vector<1x128xf32>
      %swap3A_115 = arith.constant 1 : index
      %swap3A_116 = arith.constant 384 : index
      %swap3A_117 = vector.load %arg6[%swap3A_115, %swap3A_116] : memref<2x1024xf32, #tpu.memory_space<vmem>>, vector<1x128xf32>
      tpu.vector_store %arg6[%swap3A_115, %swap3A_116], %broadcast_in_dim3A_114 {strides = array<i32>} : memref<2x1024xf32, #tpu.memory_space<vmem>>, vector<1x128xf32>,
      %get3A_118 = arith.constant 4 : index
      %get3A_119 = arith.constant 0 : index
      %get3A_120 = vector.load %arg2[%get3A_118, %get3A_119] : memref<8x128xi32, #tpu.memory_space<vmem>>, vector<1x128xi32>
      %iota3A_121 = tpu.iota {dimensions = array<i32: 0>} : vector<1024x128xi32>
      %eq3A_122 = vector.broadcast %get3A_120 : vector<1x128xi32> to vector<1024x128xi32>
      %eq3A_123 = arith.cmpi eq, %iota3A_121, %eq3A_122 : vector<1024x128xi32>
      %broadcast_in_dim3A_124 = vector.shape_cast %get3A_20 : vector<1024x1xf32> to vector<1024x1xf32>
      %broadcast_in_dim3A_125 = vector.broadcast %broadcast_in_dim3A_124 : vector<1024x1xf32> to vector<1024x128xf32>
      %select_n3A_126 = arith.select %eq3A_123, %broadcast_in_dim3A_125, %broadcast_in_dim3A_24 : vector<1024x128xi1>, vector<1024x128xf32>
      %reduce_sum3A_127 = arith.constant dense<0.000000e+00> : vector<128xf32>
      %reduce_sum3A_128 = vector.multi_reduction <add>, %select_n3A_126, %reduce_sum3A_127 [0] : vector<1024x128xf32> to vector<128xf32>
      %broadcast_in_dim3A_129 = vector.shape_cast %reduce_sum3A_128 : vector<128xf32> to vector<1x128xf32>
      %swap3A_130 = arith.constant 0 : index
      %swap3A_131 = arith.constant 512 : index
      %swap3A_132 = vector.load %arg6[%swap3A_130, %swap3A_131] : memref<2x1024xf32, #tpu.memory_space<vmem>>, vector<1x128xf32>
      tpu.vector_store %arg6[%swap3A_130, %swap3A_131], %broadcast_in_dim3A_129 {strides = array<i32>} : memref<2x1024xf32, #tpu.memory_space<vmem>>, vector<1x128xf32>,
      %broadcast_in_dim3A_133 = vector.shape_cast %get3A_23 : vector<1024x1xf32> to vector<1024x1xf32>
      %broadcast_in_dim3A_134 = vector.broadcast %broadcast_in_dim3A_133 : vector<1024x1xf32> to vector<1024x128xf32>
      %select_n3A_135 = arith.select %eq3A_123, %broadcast_in_dim3A_134, %broadcast_in_dim3A_24 : vector<1024x128xi1>, vector<1024x128xf32>
      %reduce_sum3A_136 = arith.constant dense<0.000000e+00> : vector<128xf32>
      %reduce_sum3A_137 = vector.multi_reduction <add>, %select_n3A_135, %reduce_sum3A_136 [0] : vector<1024x128xf32> to vector<128xf32>
      %broadcast_in_dim3A_138 = vector.shape_cast %reduce_sum3A_137 : vector<128xf32> to vector<1x128xf32>
      %swap3A_139 = arith.constant 1 : index
      %swap3A_140 = arith.constant 512 : index
      %swap3A_141 = vector.load %arg6[%swap3A_139, %swap3A_140] : memref<2x1024xf32, #tpu.memory_space<vmem>>, vector<1x128xf32>
      tpu.vector_store %arg6[%swap3A_139, %swap3A_140], %broadcast_in_dim3A_138 {strides = array<i32>} : memref<2x1024xf32, #tpu.memory_space<vmem>>, vector<1x128xf32>,
      %get3A_142 = arith.constant 5 : index
      %get3A_143 = arith.constant 0 : index
      %get3A_144 = vector.load %arg2[%get3A_142, %get3A_143] : memref<8x128xi32, #tpu.memory_space<vmem>>, vector<1x128xi32>
      %iota3A_145 = tpu.iota {dimensions = array<i32: 0>} : vector<1024x128xi32>
      %eq3A_146 = vector.broadcast %get3A_144 : vector<1x128xi32> to vector<1024x128xi32>
      %eq3A_147 = arith.cmpi eq, %iota3A_145, %eq3A_146 : vector<1024x128xi32>
      %broadcast_in_dim3A_148 = vector.shape_cast %get3A_20 : vector<1024x1xf32> to vector<1024x1xf32>
      %broadcast_in_dim3A_149 = vector.broadcast %broadcast_in_dim3A_148 : vector<1024x1xf32> to vector<1024x128xf32>
      %select_n3A_150 = arith.select %eq3A_147, %broadcast_in_dim3A_149, %broadcast_in_dim3A_24 : vector<1024x128xi1>, vector<1024x128xf32>
      %reduce_sum3A_151 = arith.constant dense<0.000000e+00> : vector<128xf32>
      %reduce_sum3A_152 = vector.multi_reduction <add>, %select_n3A_150, %reduce_sum3A_151 [0] : vector<1024x128xf32> to vector<128xf32>
      %broadcast_in_dim3A_153 = vector.shape_cast %reduce_sum3A_152 : vector<128xf32> to vector<1x128xf32>
      %swap3A_154 = arith.constant 0 : index
      %swap3A_155 = arith.constant 640 : index
      %swap3A_156 = vector.load %arg6[%swap3A_154, %swap3A_155] : memref<2x1024xf32, #tpu.memory_space<vmem>>, vector<1x128xf32>
      tpu.vector_store %arg6[%swap3A_154, %swap3A_155], %broadcast_in_dim3A_153 {strides = array<i32>} : memref<2x1024xf32, #tpu.memory_space<vmem>>, vector<1x128xf32>,
      %broadcast_in_dim3A_157 = vector.shape_cast %get3A_23 : vector<1024x1xf32> to vector<1024x1xf32>
      %broadcast_in_dim3A_158 = vector.broadcast %broadcast_in_dim3A_157 : vector<1024x1xf32> to vector<1024x128xf32>
      %select_n3A_159 = arith.select %eq3A_147, %broadcast_in_dim3A_158, %broadcast_in_dim3A_24 : vector<1024x128xi1>, vector<1024x128xf32>
      %reduce_sum3A_160 = arith.constant dense<0.000000e+00> : vector<128xf32>
      %reduce_sum3A_161 = vector.multi_reduction <add>, %select_n3A_159, %reduce_sum3A_160 [0] : vector<1024x128xf32> to vector<128xf32>
      %broadcast_in_dim3A_162 = vector.shape_cast %reduce_sum3A_161 : vector<128xf32> to vector<1x128xf32>
      %swap3A_163 = arith.constant 1 : index
      %swap3A_164 = arith.constant 640 : index
      %swap3A_165 = vector.load %arg6[%swap3A_163, %swap3A_164] : memref<2x1024xf32, #tpu.memory_space<vmem>>, vector<1x128xf32>
      tpu.vector_store %arg6[%swap3A_163, %swap3A_164], %broadcast_in_dim3A_162 {strides = array<i32>} : memref<2x1024xf32, #tpu.memory_space<vmem>>, vector<1x128xf32>,
      %get3A_166 = arith.constant 6 : index
      %get3A_167 = arith.constant 0 : index
      %get3A_168 = vector.load %arg2[%get3A_166, %get3A_167] : memref<8x128xi32, #tpu.memory_space<vmem>>, vector<1x128xi32>
      %iota3A_169 = tpu.iota {dimensions = array<i32: 0>} : vector<1024x128xi32>
      %eq3A_170 = vector.broadcast %get3A_168 : vector<1x128xi32> to vector<1024x128xi32>
      %eq3A_171 = arith.cmpi eq, %iota3A_169, %eq3A_170 : vector<1024x128xi32>
      %broadcast_in_dim3A_172 = vector.shape_cast %get3A_20 : vector<1024x1xf32> to vector<1024x1xf32>
      %broadcast_in_dim3A_173 = vector.broadcast %broadcast_in_dim3A_172 : vector<1024x1xf32> to vector<1024x128xf32>
      %select_n3A_174 = arith.select %eq3A_171, %broadcast_in_dim3A_173, %broadcast_in_dim3A_24 : vector<1024x128xi1>, vector<1024x128xf32>
      %reduce_sum3A_175 = arith.constant dense<0.000000e+00> : vector<128xf32>
      %reduce_sum3A_176 = vector.multi_reduction <add>, %select_n3A_174, %reduce_sum3A_175 [0] : vector<1024x128xf32> to vector<128xf32>
      %broadcast_in_dim3A_177 = vector.shape_cast %reduce_sum3A_176 : vector<128xf32> to vector<1x128xf32>
      %swap3A_178 = arith.constant 0 : index
      %swap3A_179 = arith.constant 768 : index
      %swap3A_180 = vector.load %arg6[%swap3A_178, %swap3A_179] : memref<2x1024xf32, #tpu.memory_space<vmem>>, vector<1x128xf32>
      tpu.vector_store %arg6[%swap3A_178, %swap3A_179], %broadcast_in_dim3A_177 {strides = array<i32>} : memref<2x1024xf32, #tpu.memory_space<vmem>>, vector<1x128xf32>,
      %broadcast_in_dim3A_181 = vector.shape_cast %get3A_23 : vector<1024x1xf32> to vector<1024x1xf32>
      %broadcast_in_dim3A_182 = vector.broadcast %broadcast_in_dim3A_181 : vector<1024x1xf32> to vector<1024x128xf32>
      %select_n3A_183 = arith.select %eq3A_171, %broadcast_in_dim3A_182, %broadcast_in_dim3A_24 : vector<1024x128xi1>, vector<1024x128xf32>
      %reduce_sum3A_184 = arith.constant dense<0.000000e+00> : vector<128xf32>
      %reduce_sum3A_185 = vector.multi_reduction <add>, %select_n3A_183, %reduce_sum3A_184 [0] : vector<1024x128xf32> to vector<128xf32>
      %broadcast_in_dim3A_186 = vector.shape_cast %reduce_sum3A_185 : vector<128xf32> to vector<1x128xf32>
      %swap3A_187 = arith.constant 1 : index
      %swap3A_188 = arith.constant 768 : index
      %swap3A_189 = vector.load %arg6[%swap3A_187, %swap3A_188] : memref<2x1024xf32, #tpu.memory_space<vmem>>, vector<1x128xf32>
      tpu.vector_store %arg6[%swap3A_187, %swap3A_188], %broadcast_in_dim3A_186 {strides = array<i32>} : memref<2x1024xf32, #tpu.memory_space<vmem>>, vector<1x128xf32>,
      %get3A_190 = arith.constant 7 : index
      %get3A_191 = arith.constant 0 : index
      %get3A_192 = vector.load %arg2[%get3A_190, %get3A_191] : memref<8x128xi32, #tpu.memory_space<vmem>>, vector<1x128xi32>
      %iota3A_193 = tpu.iota {dimensions = array<i32: 0>} : vector<1024x128xi32>
      %eq3A_194 = vector.broadcast %get3A_192 : vector<1x128xi32> to vector<1024x128xi32>
      %eq3A_195 = arith.cmpi eq, %iota3A_193, %eq3A_194 : vector<1024x128xi32>
      %broadcast_in_dim3A_196 = vector.shape_cast %get3A_20 : vector<1024x1xf32> to vector<1024x1xf32>
      %broadcast_in_dim3A_197 = vector.broadcast %broadcast_in_dim3A_196 : vector<1024x1xf32> to vector<1024x128xf32>
      %select_n3A_198 = arith.select %eq3A_195, %broadcast_in_dim3A_197, %broadcast_in_dim3A_24 : vector<1024x128xi1>, vector<1024x128xf32>
      %reduce_sum3A_199 = arith.constant dense<0.000000e+00> : vector<128xf32>
      %reduce_sum3A_200 = vector.multi_reduction <add>, %select_n3A_198, %reduce_sum3A_199 [0] : vector<1024x128xf32> to vector<128xf32>
      %broadcast_in_dim3A_201 = vector.shape_cast %reduce_sum3A_200 : vector<128xf32> to vector<1x128xf32>
      %swap3A_202 = arith.constant 0 : index
      %swap3A_203 = arith.constant 896 : index
      %swap3A_204 = vector.load %arg6[%swap3A_202, %swap3A_203] : memref<2x1024xf32, #tpu.memory_space<vmem>>, vector<1x128xf32>
      tpu.vector_store %arg6[%swap3A_202, %swap3A_203], %broadcast_in_dim3A_201 {strides = array<i32>} : memref<2x1024xf32, #tpu.memory_space<vmem>>, vector<1x128xf32>,
      %broadcast_in_dim3A_205 = vector.shape_cast %get3A_23 : vector<1024x1xf32> to vector<1024x1xf32>
      %broadcast_in_dim3A_206 = vector.broadcast %broadcast_in_dim3A_205 : vector<1024x1xf32> to vector<1024x128xf32>
      %select_n3A_207 = arith.select %eq3A_195, %broadcast_in_dim3A_206, %broadcast_in_dim3A_24 : vector<1024x128xi1>, vector<1024x128xf32>
      %reduce_sum3A_208 = arith.constant dense<0.000000e+00> : vector<128xf32>
      %reduce_sum3A_209 = vector.multi_reduction <add>, %select_n3A_207, %reduce_sum3A_208 [0] : vector<1024x128xf32> to vector<128xf32>
      %broadcast_in_dim3A_210 = vector.shape_cast %reduce_sum3A_209 : vector<128xf32> to vector<1x128xf32>
      %swap3A_211 = arith.constant 1 : index
      %swap3A_212 = arith.constant 896 : index
      %swap3A_213 = vector.load %arg6[%swap3A_211, %swap3A_212] : memref<2x1024xf32, #tpu.memory_space<vmem>>, vector<1x128xf32>
      tpu.vector_store %arg6[%swap3A_211, %swap3A_212], %broadcast_in_dim3A_210 {strides = array<i32>} : memref<2x1024xf32, #tpu.memory_space<vmem>>, vector<1x128xf32>,
    } else {
    }
    %get3A = arith.constant 0 : index
    %get3A_2 = arith.constant 0 : index
    %get3A_3 = vector.load %arg6[%get3A, %get3A_2] : memref<2x1024xf32, #tpu.memory_space<vmem>>, vector<1x1024xf32>
    %get3A_4 = arith.constant 1 : index
    %get3A_5 = arith.constant 0 : index
    %get3A_6 = vector.load %arg6[%get3A_4, %get3A_5] : memref<2x1024xf32, #tpu.memory_space<vmem>>, vector<1x1024xf32>
    %get3A_7 = arith.constant 0 : index
    %get3A_8 = arith.constant 0 : index
    %get3A_9 = vector.load %arg3[%get3A_7, %get3A_8] : memref<1024x1024xf32, #tpu.memory_space<vmem>>, vector<1024x1024xf32>
    %mul3A = vector.broadcast %get3A_3 : vector<1x1024xf32> to vector<1024x1024xf32>
    %mul3A_10 = arith.mulf %mul3A, %get3A_9 : vector<1024x1024xf32>
    %get3A_11 = arith.constant 0 : index
    %get3A_12 = arith.constant 0 : index
    %get3A_13 = vector.load %arg4[%get3A_11, %get3A_12] : memref<1024x1024xf32, #tpu.memory_space<vmem>>, vector<1024x1024xf32>
    %mul3A_14 = vector.broadcast %get3A_6 : vector<1x1024xf32> to vector<1024x1024xf32>
    %mul3A_15 = arith.mulf %mul3A_14, %get3A_13 : vector<1024x1024xf32>
    %add3A = arith.addf %mul3A_10, %mul3A_15 : vector<1024x1024xf32>
    %swap3A = arith.constant 0 : index
    %swap3A_16 = arith.constant 0 : index
    %swap3A_17 = vector.load %arg5[%swap3A, %swap3A_16] : memref<1024x1024xf32, #tpu.memory_space<vmem>>, vector<1024x1024xf32>
    tpu.vector_store %arg5[%swap3A, %swap3A_16], %add3A {strides = array<i32>} : memref<1024x1024xf32, #tpu.memory_space<vmem>>, vector<1024x1024xf32>,
    return
  }
  func.func @transform_0(%arg0: i32) -> (i32, i32) {
    %c0_i32 = arith.constant 0 : i32
    %c0_i32_0 = arith.constant 0 : i32
    %c0_i32_1 = arith.constant 0 : i32
    return %c0_i32, %c0_i32_0 : i32, i32
  }
  func.func @transform_1(%arg0: i32) -> (i32, i32) {
    %c0_i32 = arith.constant 0 : i32
    %c0_i32_0 = arith.constant 0 : i32
    %c0_i32_1 = arith.constant 0 : i32
    return %c0_i32, %c0_i32_0 : i32, i32
  }
  func.func @transform_2(%arg0: i32) -> (i32, i32) {
    %c0_i32 = arith.constant 0 : i32
    %c0_i32_0 = arith.constant 0 : i32
    return %arg0, %c0_i32 : i32, i32
  }
  func.func @transform_3(%arg0: i32) -> (i32, i32) {
    %c0_i32 = arith.constant 0 : i32
    %c0_i32_0 = arith.constant 0 : i32
    return %arg0, %c0_i32 : i32, i32
  }
  func.func @transform_4(%arg0: i32) -> (i32, i32) {
    %c0_i32 = arith.constant 0 : i32
    %c0_i32_0 = arith.constant 0 : i32
    return %arg0, %c0_i32 : i32, i32
  }
}

</mosaic_0001>

<sc_bundles>
// kernel: kernel.5.cloned.1.call-start
scs
__scs_entry_jumppad:
0x0: {  	(pc) =	sbr.rel $0x88, $3  }
0x1: {  	(tag) =	ssettag $0x0;
	lr =	simm.s32 $0x1  }
0x2: {  	[smem:$0x3F9E] =	sst lr;
	_ =	strace $0xD0000000  }
0x3: {  	_ = 	snop  }
0x4: {  	_ = 	snop  }
0x5: {  	_ = 	snop  }
0x6: {  	_ = 	snop  }
0x7: {  	_ = 	snop  }
__scs_overlays_trampoline_lowered:
0x8: {  	[smem:$0x3FAD] =	sst s0  }
0x9: {  	[smem:$0x3FAE] =	sst s1  }
0xa: {  	[smem:$0x3FAF] =	sst s2  }
0xb: {  	[smem:$0x3FB0] =	sst s3  }
0xc: {  	[smem:$0x3FB1] =	sst s4  }
0xd: {  	[smem:$0x3FB2] =	sst s5  }
0xe: {  	[smem:$0x3FB3] =	sst s6  }
0xf: {  	[smem:$0x3FB4] =	sst s7  }
0x10: {  	[smem:$0x3FB5] =	sst s8  }
0x11: {  	[smem:$0x3FB6] =	sst s9;
	s0 =	simm.s32 @!p0 $0x0  }
0x12: {  	s1 =	sld [smem:$0x3F9C];
	s0 =	simm.s32 @p0 $0x1  }
0x13: {  	[smem:$0x3FB7] =	sst s0;
	s0 =	simm.s32 @!p1 $0x0  }
0x14: {  	s2 =	sld [smem:$0x3F9B];
	s0 =	simm.s32 @p1 $0x1  }
0x15: {  	[smem:$0x3FB8] =	sst s0;
	s0 =	simm.s32 @!p2 $0x0  }
0x16: {  	s3 =	sld [smem:$0x3FDB];
	s0 =	simm.s32 @p2 $0x1  }
0x17: {  	s4 =	simm.s32 $0x1BF5;
	[smem:$0x3FBA] =	sst s0  }
0x18: {  	s0 =	sld [smem:$0x3F9D];
	_ =	swait.ge [sflag:s4], $0x0  }
0x19: {  	s7 =	sld [smem:$0x3F9E]  }
0x1a: {  	s8 =	sadd.s32 $0xFFFFE003, lr  }
0x1b: {  	s9 =	sadd.s32 $0xFFFFFEF7, lr;
	s5 =	simm.s32 $0xFFFFFFFF;
	p2 =	slt.u32 s8, $0xFFFFF086  }
0x1c: {  	p1 =	slt.u32 s9, $0xF7A;
	s5 =	simm.s32 @!p2 $0x0  }
0x1d: {  	s5 =	simm.s32 @p1 $0x1;
	p0 =	seq.s32 s7, s2  }
0x1e: {  	s7 =	smul.u32 @!p0 $0xF7A, s2;
	p2 =	seq.s32 @!p0 s5, $0x0  }
0x1f: {  	s9 =	smul.u32 $0xF7A, s1;
	s8 =	simm.s32 @!p0 $0x1BF5;
	p2 =	por !p2, p0  }
0x20: {  	[sflag:s8] =	ssyncset.s32 @!p0 $0xFFFFF086;
	s6 =	sadd.s32 @!p0 s3, s7;
	s7 =	simm.s32 @!p0 $0x108  }
0x21: {  	s3 =	sadd.s32 s3, s9;
	s6 =	sadd.s32 @!p0 $0x88, s6;
	s7 =	simm.s32 @p2 $0x1082  }
0x22: {  	[simem:s7], [sflag:s8] =	dma.local @!p0 [hbm:s6], $0xF7A  }
0x23: {  	s9 =	sor.u32 $0xD0000000, s2;
	s6 =	simm.s32 $0x108;
	_ =	swait.ge @!p0 [sflag:s8], $0x0  }
0x24: {  	s3 =	sadd.s32 $0x88, s3;
	s6 =	simm.s32 @!p1 $0x1082;
	[sflag:s4] =	ssyncset.s32 $0xFFFFF086  }
0x25: {  	[simem:s6], [sflag:s4] =	dma.local [hbm:s3], $0xF7A  }
0x26: {  	[smem:$0x3F9E] =	sst s1;
	(tag) =	ssettag s2;
	_ =	strace s9  }
0x27: {  	s1 =	sld [smem:$0x3FAE]  }
0x28: {  	s2 =	sld [smem:$0x3FAF]  }
0x29: {  	s4 =	sld [smem:$0x3FB1]  }
0x2a: {  	p0 =	seq.s32 s5, $0x0;
	s5 =	sld [smem:$0x3FB2]  }
0x2b: {  	s6 =	sld [smem:$0x3FB3]  }
0x2c: {  	s7 =	sld [smem:$0x3FB4]  }
0x2d: {  	s3 =	simm.s32 $0x108;
	s8 =	sld [smem:$0x3FB5]  }
0x2e: {  	s3 =	simm.s32 @!p0 $0x1082;
	s9 =	sld [smem:$0x3FB6]  }
0x2f: {  	lr =	sadd.s32 s0, s3;
	s0 =	sld [smem:$0x3FAD]  }
0x30: {  	s3 =	sld [smem:$0x3FB0]  }
0x31: {  	[smem:$0x3FB9] =	sst s10  }
0x32: {  	s10 =	sld [smem:$0x3FB7];
	_ =	sdelay $0x3  }
0x33: {  	p0 =	seq.s32 s10, $0x1;
	s10 =	sld [smem:$0x3FB9];
	_ =	sdelay $0x3  }
0x34: {  	[smem:$0x3FB9] =	sst s10  }
0x35: {  	s10 =	sld [smem:$0x3FB8];
	_ =	sdelay $0x3  }
0x36: {  	p1 =	seq.s32 s10, $0x1;
	s10 =	sld [smem:$0x3FB9];
	_ =	sdelay $0x3  }
0x37: {  	[smem:$0x3FB9] =	sst s10  }
0x38: {  	s10 =	sld [smem:$0x3FBA]  }
0x39: {  	_ = 	snop;
	(pc) =	sbr.ind lr, $3  }
0x3a: {  	_ = 	snop  }
0x3b: {  	_ = 	snop  }
0x3c: {  	p2 =	seq.s32 s10, $0x1;
	s10 =	sld [smem:$0x3FB9]  }
0x3d: {  	_ =	shalt  }
0x3e: {  	_ =	shalt  }
0x3f: {  	_ =	shalt  }
0x40: {  	_ =	shalt  }
0x41: {  	_ =	shalt  }
0x42: {  	_ =	shalt  }
0x43: {  	_ =	shalt  }
0x44: {  	_ =	shalt  }
0x45: {  	_ =	shalt  }
0x46: {  	_ =	shalt  }
0x47: {  	_ =	shalt  }
0x48: {  	_ =	shalt  }
0x49: {  	_ =	shalt  }
0x4a: {  	_ =	shalt  }
0x4b: {  	_ =	shalt  }
0x4c: {  	_ =	shalt  }
0x4d: {  	_ =	shalt  }
0x4e: {  	_ =	shalt  }
0x4f: {  	_ =	shalt  }
0x50: {  	_ =	shalt  }
0x51: {  	_ =	shalt  }
0x52: {  	_ =	shalt  }
0x53: {  	_ =	shalt  }
0x54: {  	_ =	shalt  }
0x55: {  	_ =	shalt  }
0x56: {  	_ =	shalt  }
0x57: {  	_ =	shalt  }
0x58: {  	_ =	shalt  }
0x59: {  	_ =	shalt  }
0x5a: {  	_ =	shalt  }
0x5b: {  	_ =	shalt  }
0x5c: {  	_ =	shalt  }
0x5d: {  	_ =	shalt  }
0x5e: {  	_ =	shalt  }
0x5f: {  	_ =	shalt  }
0x60: {  	_ =	shalt  }
0x61: {  	_ =	shalt  }
0x62: {  	_ =	shalt  }
0x63: {  	_ =	shalt  }
0x64: {  	_ =	shalt  }
0x65: {  	_ =	shalt  }
0x66: {  	_ =	shalt  }
0x67: {  	_ =	shalt  }
0x68: {  	_ =	shalt  }
0x69: {  	_ =	shalt  }
0x6a: {  	_ =	shalt  }
0x6b: {  	_ =	shalt  }
0x6c: {  	_ =	shalt  }
0x6d: {  	_ =	shalt  }
0x6e: {  	_ =	shalt  }
0x6f: {  	_ =	shalt  }
0x70: {  	_ =	shalt  }
0x71: {  	_ =	shalt  }
0x72: {  	_ =	shalt  }
0x73: {  	_ =	shalt  }
0x74: {  	_ =	shalt  }
0x75: {  	_ =	shalt  }
0x76: {  	_ =	shalt  }
0x77: {  	_ =	shalt  }
0x78: {  	_ =	shalt  }
0x79: {  	_ =	shalt  }
0x7a: {  	_ =	shalt  }
0x7b: {  	_ =	shalt  }
0x7c: {  	_ =	shalt  }
0x7d: {  	_ =	shalt  }
0x7e: {  	_ =	shalt  }
0x7f: {  	_ =	shalt  }
0x80: {  	_ =	shalt  }
0x81: {  	_ =	shalt  }
0x82: {  	_ =	shalt  }
0x83: {  	_ =	shalt  }
0x84: {  	_ =	shalt  }
0x85: {  	_ =	shalt  }
0x86: {  	_ =	shalt  }
0x87: {  	_ =	shalt  }
.Lfunc_end0:
.L_simem_size_0:
called_computation_lowered:
.L_overlay_start_0:
0x88: {  	s0 =	sld [smem:$0x3FD9]  }
0x89: {  	s1 =	sld [smem:$0x3FFE];
	_ =	sdelay $0x3  }
0x8a: {  	s0 =	sadd.s32 s1, s0  }
0x8b: {  	[smem:$0x3FC5] =	sst s0  }
0x8c: {  	_ = 	snop  }
0x8d: {  	s0 =	sld [smem:$0x3FC7];
	(tm) =	ssettm $0x1  }
0x8e: {  	s16 =	sld [smem:$0x3FFB];
	_ =	sdelay $0x3  }
0x8f: {  	_ =	strace s16  }
0x90: {  	s1 =	sld [smem:$0x3FFC];
	_ =	sdelay $0x3  }
0x91: {  	_ =	strace s1  }
0x92: {  	s1 =	sld [smem:$0x3FFD];
	_ =	sdelay $0x3  }
0x93: {  	_ =	strace s1  }
0x94: {  	_ =	strace $0x8FFFFFFF  }
0x95: {  	s17 =	sld [smem:$0x3FDB];
	_ =	sdelay $0x1  }
0x96: {  	s2 =	simm.s32 $_scs_section_size  }
0x97: {  	s3 =	simm.s32 $_size__tile_overlayer_lowered;
	s4 =	simm.s32 $_tile_overlayer_lowered  }
0x98: {  	s20 =	simm.s32 $0x1BFF;
	s19 =	sshll.u32 s4, $0x1;
	s1 =	sadd.s32 s2, s17  }
0x99: {  	s5 =	simm.s32 $0x0;
	s18 =	sshll.u32 s3, $0x1;
	s3 =	sadd.s32 s19, s1  }
0x9a: {  	[timem:s5], [sflag:s20] =	dma.local [hbm:s3], s18  }
0x9b: {  	_ =	swait.ge [sflag:s20], s18  }
0x9c: {  	s2 =	ssub.s32 $0x0, s18;
	[sflag:s20] =	ssyncset.done $0x0  }
0x9d: {  	[sflag:s20] =	ssyncadd.s32 s2;
	_ =	sdelay $0x1  }
0x9e: {  	s21 =	simm.s32 $0x1B8B  }
0x9f: {  	_ =	swait.ge [sflag:s21], $0x1  }
0xa0: {  	[sflag:s21] =	ssyncset.done $0x0  }
0xa1: {  	s23 =	simm.s32 $0x1B8E;
	s22 =	sld [smem:$0x3FFE];
	[sflag:s21] =	ssyncadd.s32 $0xFFFFFFFF  }
0xa2: {  	s24 =	simm.s32 $execute0_lowered;
	[smem:$0x3FD2] =	sst s23  }
0xa3: {  	s3 =	sshll.u32 s24, $0x1;
	_ =	strace $0x80000046;
	[dreg:$0x1] =	wrdreg $0xFFFFFFFF  }
0xa4: {  	s25 =	simm.s32 $_size_execute0_lowered;
	s1 =	sadd.s32 s1, s3;
	[dreg:$0x0] =	wrdreg $0x0  }
0xa5: {  	s3 =	sshll.u32 s25, $0x1;
	[dreg:$0x2] =	wrdreg s1  }
0xa6: {  	[dreg:$0x3] =	wrdreg s3  }
0xa7: {  	[dreg:$0x4] =	wrdreg $0xC0  }
0xa8: {  	_ =	task [dreg:s5], $0x5FFFF  }
0xa9: {  	[dreg:$0x1] =	wrdreg $0xFFFFFFFF  }
0xaa: {  	[dreg:$0x0] =	wrdreg $0x60  }
0xab: {  	[dreg:$0x2] =	wrdreg s22  }
0xac: {  	[dreg:$0x3] =	wrdreg s0  }
0xad: {  	[dreg:$0x4] =	wrdreg $0x9  }
0xae: {  	_ =	task.clear_ibuf [dreg:s5], $0x5FFFF;
	_ =	strace $0x90000046  }
0xaf: {  	s26 =	simm.s32 $0x9;
	_ =	strace $0x80000048  }
0xb0: {  	_ =	swait.ge [sflag:s26], $0x1  }
0xb1: {  	[sflag:s26] =	ssyncadd.s32 $0xFFFFFFFF  }
0xb2: {  	_ =	strace $0x90000048  }
0xb3: {  	_ =	sfence  }
0xb4: {  	s28 =	sld [smem:$0x0];
	_ =	sdelay $0x1  }
0xb5: {  	s29 =	srdreg.scid  }
0xb6: {  	s30 =	sshll.u32 s29, $0xD;
	s31 =	sshrl.u32 s29, $0x2  }
0xb7: {  	s2 =	sand.u32 $0x4000, s30;
	s1 =	sand.u32 $0x1, s29;
	s0 =	sadd.s32 s31, s28  }
0xb8: {  	s1 =	sor.u32 s2, s1;
	s0 =	sshll.u32 s0, $0x11  }
0xb9: {  	s0 =	sor.u32 s0, s1  }
0xba: {  	s0 =	sadd.s32 $0x8F2B, s0  }
0xbb: {  	[sflag:s0] =	ssyncadd.remote.s32 $0x1  }
0xbc: {  	_ =	sfence.sel $0xFFFF  }
0xbd: {  	[dreg:$0x0] =	wrdreg $0xFFFFFFFF;
	(pc) =	sbr.abs _section_cstart, $3  }
0xbe: {  	[dreg:$0x1] =	wrdreg $0xFFFFFFFF  }
0xbf: {  	_ =	task.clear_ibuf [dreg:s5], $0x2FFFF;
	_ =	strace $0x9FFFFFFF  }
0xc0: {  	(tm) =	ssettm $0x7FFFFFFF  }
0xc1: {  	_ =	shalt  }
tec
execute0_lowered:
.L_overlay_start_1:
0x0: {  	(tag) =	ssettag $0x1  }
0x1: {  	s0 =	rddreg [dreg:$0x0]  }
0x2: {  	s1 =	rddreg [dreg:$0x1]  }
0x3: {  	s2 =	rddreg [dreg:$0x2];
	s3 =	simm.s32 $0x0;
	s4 =	stileid.u32  }
0x4: {  	[smem:$0x7FF] =	sst s3;
	s5 =	sshll.u32 s4, $0x3  }
0x5: {  	s28 =	simm.s32 $0x2;
	_ =	strace $0x80000047;
	s1 =	sadd.s32 s1, s5  }
0x6: {  	[tilespmem:s3], [sflag:$0x2] =	stream.linear.gather [hbm4b:s1+s3], $0x40, $0x38;
	[tilespmem:$0x2080] =	vst v63  }
0x7: {  	_ =	swait.ge [sflag:s28], $0x40  }
0x8: {  	s6 =	simm.s32 $0x40;
	s7 =	simm.s32 $0x80;
	[sflag:s28] =	ssyncset.done $0x0  }
0x9: {  	s30 =	simm.s32 $0x1;
	s29 =	sadd.s32 $0xA00, s0;
	[sflag:s28] =	ssyncadd.s32 $0xFFFFFFC0  }
0xa: {  	[tilespmem:s7], [sflag:$0x1] =	stream.indirect.gather [hbm4b:s29+s6], $0x80, s3, s6, $0xb8;
	[tilespmem:$0x2080] =	vst v63  }
0xb: {  	s31 =	sshll.u32 s4, $0xA;
	_ =	swait.ge [sflag:s30], $0x2000  }
0xc: {  	s0 =	sadd.s32 s31, s0;
	[sflag:s30] =	ssyncset.done $0x0  }
0xd: {  	s0 =	sadd.s32 $0x4A00, s0;
	[sflag:s30] =	ssyncadd.s32 $0xFFFFE000  }
0xe: {  	[hbm4b:s0+s3] =	stream.linear.scatter [tilespmem:s7], [sflag:$0x2], $0x2000, $0x38;
	[tilespmem:$0x2080] =	vst v63  }
0xf: {  	_ =	swait.ge [sflag:s28], $0x2000  }
0x10: {  	[sflag:s28] =	ssyncset.done $0x0  }
0x11: {  	[sflag:s28] =	ssyncadd.s32 $0xFFFFE000  }
0x12: {  	_ =	sfence.sel $0x180000  }
0x13: {  	[bflag:$0x0] =	sbarrier.arrive $0xFFFF  }
0x14: {  	p0 =	sne.s32 s4, $0x0;
	_ =	strace $0x90000047  }
0x15: {  	s0 =	sadd.s32 @!p0 $0x100000, s2;
	[bflag:$0x2] =	sbarrier.arrive $0xFFFF  }
0x16: {  	[sflag:s0] =	ssyncadd.tile.s32 @!p0 $0x1;
	_ =	shalt  }
.Lfunc_end2:
_tile_overlayer_lowered:
.L_overlay_start_2:
0x17: {  	(tag) =	ssettag $0x2  }
0x18: {  	s0 =	rddreg [dreg:$0x0];
	s2 =	stileid.u32  }
0x19: {  	s1 =	rddreg [dreg:$0x1];
	p0 =	sne.s32 s2, $0x0  }
0x1a: {  	s3 =	rddreg [dreg:$0x2];
	[bflag:$0x3] =	sbarrier.arrive $0xFFFF;
	s2 =	simm.s32 @!p0 $0x1C02  }
0x1b: {  	[timem:s3], [sflag:s2] =	dma.local @!p0 [hbm:s0], s1  }
0x1c: {  	s0 =	simm.s32 @!p0 $0x2  }
0x1d: {  	_ =	swait.ge @!p0 [sflag:s0], s1  }
0x1e: {  	s1 =	ssub.s32 @!p0 $0x0, s1;
	[sflag:s0] =	ssyncset.done @!p0 $0x0  }
0x1f: {  	[sflag:s0] =	ssyncadd.s32 @!p0 s1  }
0x20: {  	[bflag:$0x3] =	sbarrier.arrive $0xFFFF  }
0x21: {  	_ =	shalt  }

</sc_bundles>
